<compile_context>
chip_gen: v7x
topology: tpu7x:2x2x1
jax: 0.10.2.dev20260603
libtpu: 0.0.44.dev20260713+nightly
codegen_flags: <defaults>
</compile_context>

<pallas_src>
import functools

import jax
import jax.numpy as jnp
from jax import lax
from jax.experimental import pallas as pl
from jax.experimental.pallas import tpu as pltpu
from jax.experimental.pallas import tpu_sc as plsc

B = 16
N = 256
C = 256
L = 16
CW = C // 2
GB = 8
RU = 4


@functools.cache
def _build():
  mesh = plsc.VectorSubcoreMesh(core_axis_name="c", subcore_axis_name="s")

  @functools.partial(
      pl.kernel,
      out_type=jax.ShapeDtypeStruct((B, C), jnp.int32),
      mesh=mesh,
      scratch_types=[
          pltpu.VMEM((N, CW), jnp.float32),
          pltpu.VMEM((CW,), jnp.int32),
      ],
  )
  def _argmax_sc(x_hbm, out_hbm, xbuf, obuf):
    h = lax.axis_index("c")
    b = lax.axis_index("s")

    pltpu.sync_copy(x_hbm.at[b, :, pl.ds(h * CW, CW)], xbuf)

    sls = [pl.ds(g * L, L) for g in range(GB)]

    ninf = jnp.full((L,), -jnp.inf, jnp.float32)
    zero = jnp.zeros((L,), jnp.int32)

    @plsc.parallel_loop(0, N, 1, unroll=RU,
                        carry=((ninf,) * GB, (zero,) * GB))
    def scan(r, carry):
      bvs, bis = carry
      ri = jnp.zeros((L,), jnp.int32) + r
      nvs, nis = [], []
      for g in range(GB):
        v = xbuf[r, sls[g]]
        m = v > bvs[g]
        nvs.append(jnp.maximum(v, bvs[g]))
        nis.append(jnp.where(m, ri, bis[g]))
      return tuple(nvs), tuple(nis)

    bvs, bis = scan
    for g in range(GB):
      obuf[sls[g]] = bis[g]

    pltpu.sync_copy(obuf, out_hbm.at[b, pl.ds(h * CW, CW)])

  return _argmax_sc


def kernel(x):
    idx = _build()(x)
    return idx.astype(jnp.int64)

# --- scband reference (transcript-rebuilt; emitter-appended) ---
"""Pipeline reference for scband-model-1735166788428 (READ-ONLY COPY).

The authoritative reference and input builder live on the scoring server;
editing this copy changes nothing except your own understanding.
"""

import jax, jax.numpy as jnp
import numpy as np

def setup_inputs(seed: int = 0) -> dict:
    key = jax.random.key(seed)
    x = jax.random.normal(key, (16, 256, 256), dtype=jnp.float32)
    return {"x": x}

def reference(x) -> jnp.ndarray:
    # Argmax over dim=1 of a (16, 256, 256) tensor, cast to int64.
    # Output shape: (16, 256), dtype int64.
    idx = jnp.argmax(x, axis=1)
    return idx.astype(jnp.int64)

if __name__ == "__main__":
    import jax
    _d = setup_inputs()
    print(jax.jit(kernel)(*tuple(_d.values())))

</pallas_src>

<mosaic_0001>
#map = affine_map<(d0, d1) -> (0, 0, 0)>
#map1 = affine_map<(d0, d1) -> (0, 0)>
module attributes {stable_mosaic.version = 14 : i64} {
  func.func @_argmax_sc(%arg0: i32, %arg1: i32, %arg2: memref<16x256x256xf32, #tpu.memory_space<hbm>>, %arg3: memref<16x256xi32, #tpu.memory_space<hbm>>, %arg4: memref<256x128xf32, #tpu.memory_space<vmem>>, %arg5: memref<128xi32, #tpu.memory_space<vmem>>) attributes {dimension_semantics = [#tpu.dimension_semantics<core_parallel>, #tpu.dimension_semantics<subcore_parallel>], iteration_bounds = array<i64: 2, 16>, scalar_prefetch = 0 : i64, scratch_operands = 2 : i64, tpu.core_type = #tpu.core_type<sc_vector_subcore>, window_params = [{transform_indices = #map}, {transform_indices = #map1}]} {
    %mul3A = arith.constant 128 : i32
    %mul3A_0 = arith.muli %arg0, %mul3A : i32
    "tpu.region"() ({
      %run_scoped3A = tpu.sem_alloc : memref<!tpu.dma_semaphore, #tpu.memory_space<semaphore_mem>>
      %dma_start3A = arith.constant 0 : i32
      %dma_start3A_40 = tpu.memref_slice %arg2[%arg1, %dma_start3A, %mul3A_0] : memref<16x256x256xf32, #tpu.memory_space<hbm>> -> memref<1x256x128xf32, #tpu.memory_space<hbm>>
      %dma_start3A_41 = tpu.memref_squeeze %dma_start3A_40 : memref<1x256x128xf32, #tpu.memory_space<hbm>> -> memref<256x128xf32, #tpu.memory_space<hbm>>
      %dma_start3A_42 = arith.constant 0 : i32
      %dma_start3A_43 = tpu.memref_slice %arg2[%arg1, %dma_start3A_42, %mul3A_0] : memref<16x256x256xf32, #tpu.memory_space<hbm>> -> memref<1x256x128xf32, #tpu.memory_space<hbm>>
      %dma_start3A_44 = tpu.memref_squeeze %dma_start3A_43 : memref<1x256x128xf32, #tpu.memory_space<hbm>> -> memref<256x128xf32, #tpu.memory_space<hbm>>
      tpu.enqueue_dma source(%dma_start3A_44 : memref<256x128xf32, #tpu.memory_space<hbm>>) target(%arg4 : memref<256x128xf32, #tpu.memory_space<vmem>>) target_semaphore(%run_scoped3A : memref<!tpu.dma_semaphore, #tpu.memory_space<semaphore_mem>>)
      %dma_wait3A = arith.constant 0 : i32
      %dma_wait3A_45 = tpu.memref_slice %arg2[%arg1, %dma_wait3A, %mul3A_0] : memref<16x256x256xf32, #tpu.memory_space<hbm>> -> memref<1x256x128xf32, #tpu.memory_space<hbm>>
      %dma_wait3A_46 = tpu.memref_squeeze %dma_wait3A_45 : memref<1x256x128xf32, #tpu.memory_space<hbm>> -> memref<256x128xf32, #tpu.memory_space<hbm>>
      %dma_wait3A_47 = arith.constant 0 : i32
      %dma_wait3A_48 = tpu.memref_slice %arg2[%arg1, %dma_wait3A_47, %mul3A_0] : memref<16x256x256xf32, #tpu.memory_space<hbm>> -> memref<1x256x128xf32, #tpu.memory_space<hbm>>
      %dma_wait3A_49 = tpu.memref_squeeze %dma_wait3A_48 : memref<1x256x128xf32, #tpu.memory_space<hbm>> -> memref<256x128xf32, #tpu.memory_space<hbm>>
      tpu.wait_dma2 semaphore(%run_scoped3A : memref<!tpu.dma_semaphore, #tpu.memory_space<semaphore_mem>>) src(%dma_wait3A_49 : memref<256x128xf32, #tpu.memory_space<hbm>>) dst(%arg4 : memref<256x128xf32, #tpu.memory_space<vmem>>)
      tpu.yield
    }) : () -> ()
    %broadcast_in_dim3A = arith.constant 0xFF800000 : f32
    %broadcast_in_dim3A_1 = vector.broadcast %broadcast_in_dim3A : f32 to vector<16xf32>
    %broadcast_in_dim3A_2 = arith.constant 0 : i32
    %broadcast_in_dim3A_3 = vector.broadcast %broadcast_in_dim3A_2 : i32 to vector<16xi32>
    %parallel_loop3A = arith.constant 0 : i32
    %parallel_loop3A_4 = arith.constant 256 : i32
    %parallel_loop3A_5 = arith.constant 1 : i32
    %parallel_loop3A_6:16 = scf.for %parallel_loop3A_40 = %parallel_loop3A to %parallel_loop3A_4 step %parallel_loop3A_5 iter_args(%parallel_loop3A_41 = %broadcast_in_dim3A_1, %parallel_loop3A_42 = %broadcast_in_dim3A_1, %parallel_loop3A_43 = %broadcast_in_dim3A_1, %parallel_loop3A_44 = %broadcast_in_dim3A_1, %parallel_loop3A_45 = %broadcast_in_dim3A_1, %parallel_loop3A_46 = %broadcast_in_dim3A_1, %parallel_loop3A_47 = %broadcast_in_dim3A_1, %parallel_loop3A_48 = %broadcast_in_dim3A_1, %parallel_loop3A_49 = %broadcast_in_dim3A_3, %parallel_loop3A_50 = %broadcast_in_dim3A_3, %parallel_loop3A_51 = %broadcast_in_dim3A_3, %parallel_loop3A_52 = %broadcast_in_dim3A_3, %parallel_loop3A_53 = %broadcast_in_dim3A_3, %parallel_loop3A_54 = %broadcast_in_dim3A_3, %parallel_loop3A_55 = %broadcast_in_dim3A_3, %parallel_loop3A_56 = %broadcast_in_dim3A_3) -> (vector<16xf32>, vector<16xf32>, vector<16xf32>, vector<16xf32>, vector<16xf32>, vector<16xf32>, vector<16xf32>, vector<16xf32>, vector<16xi32>, vector<16xi32>, vector<16xi32>, vector<16xi32>, vector<16xi32>, vector<16xi32>, vector<16xi32>, vector<16xi32>)  : i32 {
      %parallel_loop3A_57 = arith.constant 0 : i32
      %parallel_loop3A_58 = vector.broadcast %parallel_loop3A_57 : i32 to vector<16xi32>
      %parallel_loop3A_59 = vector.broadcast %parallel_loop3A_40 : i32 to vector<16xi32>
      %parallel_loop3A_60 = arith.addi %parallel_loop3A_58, %parallel_loop3A_59 : vector<16xi32>
      %parallel_loop3A_61 = arith.index_cast %parallel_loop3A_40 : i32 to index
      %parallel_loop3A_62 = arith.constant 0 : index
      %parallel_loop3A_63 = tpu.vector_load %arg4[%parallel_loop3A_61, %parallel_loop3A_62] {strides = array<i32>} : memref<256x128xf32, #tpu.memory_space<vmem>>, vector<1x16xf32>,
      %parallel_loop3A_64 = vector.shape_cast %parallel_loop3A_63 : vector<1x16xf32> to vector<16xf32>
      %parallel_loop3A_65 = arith.cmpf ogt, %parallel_loop3A_64, %parallel_loop3A_41 : vector<16xf32>
      %parallel_loop3A_66 = arith.maximumf %parallel_loop3A_64, %parallel_loop3A_41 : vector<16xf32>
      %parallel_loop3A_67 = arith.select %parallel_loop3A_65, %parallel_loop3A_60, %parallel_loop3A_49 : vector<16xi1>, vector<16xi32>
      %parallel_loop3A_68 = arith.index_cast %parallel_loop3A_40 : i32 to index
      %parallel_loop3A_69 = arith.constant 16 : index
      %parallel_loop3A_70 = tpu.vector_load %arg4[%parallel_loop3A_68, %parallel_loop3A_69] {strides = array<i32>} : memref<256x128xf32, #tpu.memory_space<vmem>>, vector<1x16xf32>,
      %parallel_loop3A_71 = vector.shape_cast %parallel_loop3A_70 : vector<1x16xf32> to vector<16xf32>
      %parallel_loop3A_72 = arith.cmpf ogt, %parallel_loop3A_71, %parallel_loop3A_42 : vector<16xf32>
      %parallel_loop3A_73 = arith.maximumf %parallel_loop3A_71, %parallel_loop3A_42 : vector<16xf32>
      %parallel_loop3A_74 = arith.select %parallel_loop3A_72, %parallel_loop3A_60, %parallel_loop3A_50 : vector<16xi1>, vector<16xi32>
      %parallel_loop3A_75 = arith.index_cast %parallel_loop3A_40 : i32 to index
      %parallel_loop3A_76 = arith.constant 32 : index
      %parallel_loop3A_77 = tpu.vector_load %arg4[%parallel_loop3A_75, %parallel_loop3A_76] {strides = array<i32>} : memref<256x128xf32, #tpu.memory_space<vmem>>, vector<1x16xf32>,
      %parallel_loop3A_78 = vector.shape_cast %parallel_loop3A_77 : vector<1x16xf32> to vector<16xf32>
      %parallel_loop3A_79 = arith.cmpf ogt, %parallel_loop3A_78, %parallel_loop3A_43 : vector<16xf32>
      %parallel_loop3A_80 = arith.maximumf %parallel_loop3A_78, %parallel_loop3A_43 : vector<16xf32>
      %parallel_loop3A_81 = arith.select %parallel_loop3A_79, %parallel_loop3A_60, %parallel_loop3A_51 : vector<16xi1>, vector<16xi32>
      %parallel_loop3A_82 = arith.index_cast %parallel_loop3A_40 : i32 to index
      %parallel_loop3A_83 = arith.constant 48 : index
      %parallel_loop3A_84 = tpu.vector_load %arg4[%parallel_loop3A_82, %parallel_loop3A_83] {strides = array<i32>} : memref<256x128xf32, #tpu.memory_space<vmem>>, vector<1x16xf32>,
      %parallel_loop3A_85 = vector.shape_cast %parallel_loop3A_84 : vector<1x16xf32> to vector<16xf32>
      %parallel_loop3A_86 = arith.cmpf ogt, %parallel_loop3A_85, %parallel_loop3A_44 : vector<16xf32>
      %parallel_loop3A_87 = arith.maximumf %parallel_loop3A_85, %parallel_loop3A_44 : vector<16xf32>
      %parallel_loop3A_88 = arith.select %parallel_loop3A_86, %parallel_loop3A_60, %parallel_loop3A_52 : vector<16xi1>, vector<16xi32>
      %parallel_loop3A_89 = arith.index_cast %parallel_loop3A_40 : i32 to index
      %parallel_loop3A_90 = arith.constant 64 : index
      %parallel_loop3A_91 = tpu.vector_load %arg4[%parallel_loop3A_89, %parallel_loop3A_90] {strides = array<i32>} : memref<256x128xf32, #tpu.memory_space<vmem>>, vector<1x16xf32>,
      %parallel_loop3A_92 = vector.shape_cast %parallel_loop3A_91 : vector<1x16xf32> to vector<16xf32>
      %parallel_loop3A_93 = arith.cmpf ogt, %parallel_loop3A_92, %parallel_loop3A_45 : vector<16xf32>
      %parallel_loop3A_94 = arith.maximumf %parallel_loop3A_92, %parallel_loop3A_45 : vector<16xf32>
      %parallel_loop3A_95 = arith.select %parallel_loop3A_93, %parallel_loop3A_60, %parallel_loop3A_53 : vector<16xi1>, vector<16xi32>
      %parallel_loop3A_96 = arith.index_cast %parallel_loop3A_40 : i32 to index
      %parallel_loop3A_97 = arith.constant 80 : index
      %parallel_loop3A_98 = tpu.vector_load %arg4[%parallel_loop3A_96, %parallel_loop3A_97] {strides = array<i32>} : memref<256x128xf32, #tpu.memory_space<vmem>>, vector<1x16xf32>,
      %parallel_loop3A_99 = vector.shape_cast %parallel_loop3A_98 : vector<1x16xf32> to vector<16xf32>
      %parallel_loop3A_100 = arith.cmpf ogt, %parallel_loop3A_99, %parallel_loop3A_46 : vector<16xf32>
      %parallel_loop3A_101 = arith.maximumf %parallel_loop3A_99, %parallel_loop3A_46 : vector<16xf32>
      %parallel_loop3A_102 = arith.select %parallel_loop3A_100, %parallel_loop3A_60, %parallel_loop3A_54 : vector<16xi1>, vector<16xi32>
      %parallel_loop3A_103 = arith.index_cast %parallel_loop3A_40 : i32 to index
      %parallel_loop3A_104 = arith.constant 96 : index
      %parallel_loop3A_105 = tpu.vector_load %arg4[%parallel_loop3A_103, %parallel_loop3A_104] {strides = array<i32>} : memref<256x128xf32, #tpu.memory_space<vmem>>, vector<1x16xf32>,
      %parallel_loop3A_106 = vector.shape_cast %parallel_loop3A_105 : vector<1x16xf32> to vector<16xf32>
      %parallel_loop3A_107 = arith.cmpf ogt, %parallel_loop3A_106, %parallel_loop3A_47 : vector<16xf32>
      %parallel_loop3A_108 = arith.maximumf %parallel_loop3A_106, %parallel_loop3A_47 : vector<16xf32>
      %parallel_loop3A_109 = arith.select %parallel_loop3A_107, %parallel_loop3A_60, %parallel_loop3A_55 : vector<16xi1>, vector<16xi32>
      %parallel_loop3A_110 = arith.index_cast %parallel_loop3A_40 : i32 to index
      %parallel_loop3A_111 = arith.constant 112 : index
      %parallel_loop3A_112 = tpu.vector_load %arg4[%parallel_loop3A_110, %parallel_loop3A_111] {strides = array<i32>} : memref<256x128xf32, #tpu.memory_space<vmem>>, vector<1x16xf32>,
      %parallel_loop3A_113 = vector.shape_cast %parallel_loop3A_112 : vector<1x16xf32> to vector<16xf32>
      %parallel_loop3A_114 = arith.cmpf ogt, %parallel_loop3A_113, %parallel_loop3A_48 : vector<16xf32>
      %parallel_loop3A_115 = arith.maximumf %parallel_loop3A_113, %parallel_loop3A_48 : vector<16xf32>
      %parallel_loop3A_116 = arith.select %parallel_loop3A_114, %parallel_loop3A_60, %parallel_loop3A_56 : vector<16xi1>, vector<16xi32>
      scf.yield %parallel_loop3A_66, %parallel_loop3A_73, %parallel_loop3A_80, %parallel_loop3A_87, %parallel_loop3A_94, %parallel_loop3A_101, %parallel_loop3A_108, %parallel_loop3A_115, %parallel_loop3A_67, %parallel_loop3A_74, %parallel_loop3A_81, %parallel_loop3A_88, %parallel_loop3A_95, %parallel_loop3A_102, %parallel_loop3A_109, %parallel_loop3A_116 : vector<16xf32>, vector<16xf32>, vector<16xf32>, vector<16xf32>, vector<16xf32>, vector<16xf32>, vector<16xf32>, vector<16xf32>, vector<16xi32>, vector<16xi32>, vector<16xi32>, vector<16xi32>, vector<16xi32>, vector<16xi32>, vector<16xi32>, vector<16xi32>
    } {sc.loop_unroll_factor = 4 : i64, sc.parallel_access}
    %swap3A = arith.constant 0 : index
    %swap3A_7 = tpu.vector_load %arg5[%swap3A] {strides = array<i32>} : memref<128xi32, #tpu.memory_space<vmem>>, vector<16xi32>,
    %swap3A_8 = vector.shape_cast %swap3A_7 : vector<16xi32> to vector<16xi32>
    %swap3A_9 = vector.shape_cast %parallel_loop3A_6#8 : vector<16xi32> to vector<16xi32>
    tpu.vector_store %arg5[%swap3A], %swap3A_9 {strides = array<i32>} : memref<128xi32, #tpu.memory_space<vmem>>, vector<16xi32>,
    %swap3A_10 = arith.constant 16 : index
    %swap3A_11 = tpu.vector_load %arg5[%swap3A_10] {strides = array<i32>} : memref<128xi32, #tpu.memory_space<vmem>>, vector<16xi32>,
    %swap3A_12 = vector.shape_cast %swap3A_11 : vector<16xi32> to vector<16xi32>
    %swap3A_13 = vector.shape_cast %parallel_loop3A_6#9 : vector<16xi32> to vector<16xi32>
    tpu.vector_store %arg5[%swap3A_10], %swap3A_13 {strides = array<i32>} : memref<128xi32, #tpu.memory_space<vmem>>, vector<16xi32>,
    %swap3A_14 = arith.constant 32 : index
    %swap3A_15 = tpu.vector_load %arg5[%swap3A_14] {strides = array<i32>} : memref<128xi32, #tpu.memory_space<vmem>>, vector<16xi32>,
    %swap3A_16 = vector.shape_cast %swap3A_15 : vector<16xi32> to vector<16xi32>
    %swap3A_17 = vector.shape_cast %parallel_loop3A_6#10 : vector<16xi32> to vector<16xi32>
    tpu.vector_store %arg5[%swap3A_14], %swap3A_17 {strides = array<i32>} : memref<128xi32, #tpu.memory_space<vmem>>, vector<16xi32>,
    %swap3A_18 = arith.constant 48 : index
    %swap3A_19 = tpu.vector_load %arg5[%swap3A_18] {strides = array<i32>} : memref<128xi32, #tpu.memory_space<vmem>>, vector<16xi32>,
    %swap3A_20 = vector.shape_cast %swap3A_19 : vector<16xi32> to vector<16xi32>
    %swap3A_21 = vector.shape_cast %parallel_loop3A_6#11 : vector<16xi32> to vector<16xi32>
    tpu.vector_store %arg5[%swap3A_18], %swap3A_21 {strides = array<i32>} : memref<128xi32, #tpu.memory_space<vmem>>, vector<16xi32>,
    %swap3A_22 = arith.constant 64 : index
    %swap3A_23 = tpu.vector_load %arg5[%swap3A_22] {strides = array<i32>} : memref<128xi32, #tpu.memory_space<vmem>>, vector<16xi32>,
    %swap3A_24 = vector.shape_cast %swap3A_23 : vector<16xi32> to vector<16xi32>
    %swap3A_25 = vector.shape_cast %parallel_loop3A_6#12 : vector<16xi32> to vector<16xi32>
    tpu.vector_store %arg5[%swap3A_22], %swap3A_25 {strides = array<i32>} : memref<128xi32, #tpu.memory_space<vmem>>, vector<16xi32>,
    %swap3A_26 = arith.constant 80 : index
    %swap3A_27 = tpu.vector_load %arg5[%swap3A_26] {strides = array<i32>} : memref<128xi32, #tpu.memory_space<vmem>>, vector<16xi32>,
    %swap3A_28 = vector.shape_cast %swap3A_27 : vector<16xi32> to vector<16xi32>
    %swap3A_29 = vector.shape_cast %parallel_loop3A_6#13 : vector<16xi32> to vector<16xi32>
    tpu.vector_store %arg5[%swap3A_26], %swap3A_29 {strides = array<i32>} : memref<128xi32, #tpu.memory_space<vmem>>, vector<16xi32>,
    %swap3A_30 = arith.constant 96 : index
    %swap3A_31 = tpu.vector_load %arg5[%swap3A_30] {strides = array<i32>} : memref<128xi32, #tpu.memory_space<vmem>>, vector<16xi32>,
    %swap3A_32 = vector.shape_cast %swap3A_31 : vector<16xi32> to vector<16xi32>
    %swap3A_33 = vector.shape_cast %parallel_loop3A_6#14 : vector<16xi32> to vector<16xi32>
    tpu.vector_store %arg5[%swap3A_30], %swap3A_33 {strides = array<i32>} : memref<128xi32, #tpu.memory_space<vmem>>, vector<16xi32>,
    %swap3A_34 = arith.constant 112 : index
    %swap3A_35 = tpu.vector_load %arg5[%swap3A_34] {strides = array<i32>} : memref<128xi32, #tpu.memory_space<vmem>>, vector<16xi32>,
    %swap3A_36 = vector.shape_cast %swap3A_35 : vector<16xi32> to vector<16xi32>
    %swap3A_37 = vector.shape_cast %parallel_loop3A_6#15 : vector<16xi32> to vector<16xi32>
    tpu.vector_store %arg5[%swap3A_34], %swap3A_37 {strides = array<i32>} : memref<128xi32, #tpu.memory_space<vmem>>, vector<16xi32>,
    %mul3A_38 = arith.constant 128 : i32
    %mul3A_39 = arith.muli %arg0, %mul3A_38 : i32
    "tpu.region"() ({
      %run_scoped3A = tpu.sem_alloc : memref<!tpu.dma_semaphore, #tpu.memory_space<semaphore_mem>>
      %dma_start3A = tpu.memref_slice %arg3[%arg1, %mul3A_39] : memref<16x256xi32, #tpu.memory_space<hbm>> -> memref<1x128xi32, #tpu.memory_space<hbm>>
      %dma_start3A_40 = tpu.memref_squeeze %dma_start3A : memref<1x128xi32, #tpu.memory_space<hbm>> -> memref<128xi32, #tpu.memory_space<hbm>>
      %dma_start3A_41 = tpu.memref_slice %arg3[%arg1, %mul3A_39] : memref<16x256xi32, #tpu.memory_space<hbm>> -> memref<1x128xi32, #tpu.memory_space<hbm>>
      %dma_start3A_42 = tpu.memref_squeeze %dma_start3A_41 : memref<1x128xi32, #tpu.memory_space<hbm>> -> memref<128xi32, #tpu.memory_space<hbm>>
      tpu.enqueue_dma source(%arg5 : memref<128xi32, #tpu.memory_space<vmem>>) target(%dma_start3A_42 : memref<128xi32, #tpu.memory_space<hbm>>) target_semaphore(%run_scoped3A : memref<!tpu.dma_semaphore, #tpu.memory_space<semaphore_mem>>)
      %dma_wait3A = tpu.memref_slice %arg3[%arg1, %mul3A_39] : memref<16x256xi32, #tpu.memory_space<hbm>> -> memref<1x128xi32, #tpu.memory_space<hbm>>
      %dma_wait3A_43 = tpu.memref_squeeze %dma_wait3A : memref<1x128xi32, #tpu.memory_space<hbm>> -> memref<128xi32, #tpu.memory_space<hbm>>
      %dma_wait3A_44 = tpu.memref_slice %arg3[%arg1, %mul3A_39] : memref<16x256xi32, #tpu.memory_space<hbm>> -> memref<1x128xi32, #tpu.memory_space<hbm>>
      %dma_wait3A_45 = tpu.memref_squeeze %dma_wait3A_44 : memref<1x128xi32, #tpu.memory_space<hbm>> -> memref<128xi32, #tpu.memory_space<hbm>>
      tpu.wait_dma2 semaphore(%run_scoped3A : memref<!tpu.dma_semaphore, #tpu.memory_space<semaphore_mem>>) src(%arg5 : memref<128xi32, #tpu.memory_space<vmem>>) dst(%dma_wait3A_45 : memref<128xi32, #tpu.memory_space<hbm>>)
      tpu.yield
    }) : () -> ()
    return
  }
}

</mosaic_0001>

<sc_bundles>
// kernel: kernel.3.cloned.1.call-start
scs
__scs_entry_jumppad:
0x0: {  	(pc) =	sbr.rel $0x88, $3  }
0x1: {  	(tag) =	ssettag $0x0;
	lr =	simm.s32 $0x1  }
0x2: {  	[smem:$0x3FA0] =	sst lr;
	_ =	strace $0xD0000000  }
0x3: {  	_ = 	snop  }
0x4: {  	_ = 	snop  }
0x5: {  	_ = 	snop  }
0x6: {  	_ = 	snop  }
0x7: {  	_ = 	snop  }
__scs_overlays_trampoline_lowered:
0x8: {  	[smem:$0x3FAF] =	sst s0  }
0x9: {  	[smem:$0x3FB0] =	sst s1  }
0xa: {  	[smem:$0x3FB1] =	sst s2  }
0xb: {  	[smem:$0x3FB2] =	sst s3  }
0xc: {  	[smem:$0x3FB3] =	sst s4  }
0xd: {  	[smem:$0x3FB4] =	sst s5  }
0xe: {  	[smem:$0x3FB5] =	sst s6  }
0xf: {  	[smem:$0x3FB6] =	sst s7  }
0x10: {  	[smem:$0x3FB7] =	sst s8  }
0x11: {  	[smem:$0x3FB8] =	sst s9;
	s0 =	simm.s32 @!p0 $0x0  }
0x12: {  	s1 =	sld [smem:$0x3F9E];
	s0 =	simm.s32 @p0 $0x1  }
0x13: {  	[smem:$0x3FB9] =	sst s0;
	s0 =	simm.s32 @!p1 $0x0  }
0x14: {  	s2 =	sld [smem:$0x3F9D];
	s0 =	simm.s32 @p1 $0x1  }
0x15: {  	[smem:$0x3FBA] =	sst s0;
	s0 =	simm.s32 @!p2 $0x0  }
0x16: {  	s3 =	sld [smem:$0x3FDB];
	s0 =	simm.s32 @p2 $0x1  }
0x17: {  	s4 =	simm.s32 $0x1BF5;
	[smem:$0x3FBC] =	sst s0  }
0x18: {  	s0 =	sld [smem:$0x3F9F];
	_ =	swait.ge [sflag:s4], $0x0  }
0x19: {  	s7 =	sld [smem:$0x3FA0]  }
0x1a: {  	s8 =	sadd.s32 $0xFFFFE003, lr  }
0x1b: {  	s9 =	sadd.s32 $0xFFFFFEF7, lr;
	s5 =	simm.s32 $0xFFFFFFFF;
	p2 =	slt.u32 s8, $0xFFFFF086  }
0x1c: {  	p1 =	slt.u32 s9, $0xF7A;
	s5 =	simm.s32 @!p2 $0x0  }
0x1d: {  	s5 =	simm.s32 @p1 $0x1;
	p0 =	seq.s32 s7, s2  }
0x1e: {  	s7 =	smul.u32 @!p0 $0xF7A, s2;
	p2 =	seq.s32 @!p0 s5, $0x0  }
0x1f: {  	s9 =	smul.u32 $0xF7A, s1;
	s8 =	simm.s32 @!p0 $0x1BF5;
	p2 =	por !p2, p0  }
0x20: {  	[sflag:s8] =	ssyncset.s32 @!p0 $0xFFFFF086;
	s6 =	sadd.s32 @!p0 s3, s7;
	s7 =	simm.s32 @!p0 $0x108  }
0x21: {  	s3 =	sadd.s32 s3, s9;
	s6 =	sadd.s32 @!p0 $0x88, s6;
	s7 =	simm.s32 @p2 $0x1082  }
0x22: {  	[simem:s7], [sflag:s8] =	dma.local @!p0 [hbm:s6], $0xF7A  }
0x23: {  	s9 =	sor.u32 $0xD0000000, s2;
	s6 =	simm.s32 $0x108;
	_ =	swait.ge @!p0 [sflag:s8], $0x0  }
0x24: {  	s3 =	sadd.s32 $0x88, s3;
	s6 =	simm.s32 @!p1 $0x1082;
	[sflag:s4] =	ssyncset.s32 $0xFFFFF086  }
0x25: {  	[simem:s6], [sflag:s4] =	dma.local [hbm:s3], $0xF7A  }
0x26: {  	[smem:$0x3FA0] =	sst s1;
	(tag) =	ssettag s2;
	_ =	strace s9  }
0x27: {  	s1 =	sld [smem:$0x3FB0]  }
0x28: {  	s2 =	sld [smem:$0x3FB1]  }
0x29: {  	s4 =	sld [smem:$0x3FB3]  }
0x2a: {  	p0 =	seq.s32 s5, $0x0;
	s5 =	sld [smem:$0x3FB4]  }
0x2b: {  	s6 =	sld [smem:$0x3FB5]  }
0x2c: {  	s7 =	sld [smem:$0x3FB6]  }
0x2d: {  	s3 =	simm.s32 $0x108;
	s8 =	sld [smem:$0x3FB7]  }
0x2e: {  	s3 =	simm.s32 @!p0 $0x1082;
	s9 =	sld [smem:$0x3FB8]  }
0x2f: {  	lr =	sadd.s32 s0, s3;
	s0 =	sld [smem:$0x3FAF]  }
0x30: {  	s3 =	sld [smem:$0x3FB2]  }
0x31: {  	[smem:$0x3FBB] =	sst s10  }
0x32: {  	s10 =	sld [smem:$0x3FB9];
	_ =	sdelay $0x3  }
0x33: {  	p0 =	seq.s32 s10, $0x1;
	s10 =	sld [smem:$0x3FBB];
	_ =	sdelay $0x3  }
0x34: {  	[smem:$0x3FBB] =	sst s10  }
0x35: {  	s10 =	sld [smem:$0x3FBA];
	_ =	sdelay $0x3  }
0x36: {  	p1 =	seq.s32 s10, $0x1;
	s10 =	sld [smem:$0x3FBB];
	_ =	sdelay $0x3  }
0x37: {  	[smem:$0x3FBB] =	sst s10  }
0x38: {  	s10 =	sld [smem:$0x3FBC]  }
0x39: {  	_ = 	snop;
	(pc) =	sbr.ind lr, $3  }
0x3a: {  	_ = 	snop  }
0x3b: {  	_ = 	snop  }
0x3c: {  	p2 =	seq.s32 s10, $0x1;
	s10 =	sld [smem:$0x3FBB]  }
0x3d: {  	_ =	shalt  }
0x3e: {  	_ =	shalt  }
0x3f: {  	_ =	shalt  }
0x40: {  	_ =	shalt  }
0x41: {  	_ =	shalt  }
0x42: {  	_ =	shalt  }
0x43: {  	_ =	shalt  }
0x44: {  	_ =	shalt  }
0x45: {  	_ =	shalt  }
0x46: {  	_ =	shalt  }
0x47: {  	_ =	shalt  }
0x48: {  	_ =	shalt  }
0x49: {  	_ =	shalt  }
0x4a: {  	_ =	shalt  }
0x4b: {  	_ =	shalt  }
0x4c: {  	_ =	shalt  }
0x4d: {  	_ =	shalt  }
0x4e: {  	_ =	shalt  }
0x4f: {  	_ =	shalt  }
0x50: {  	_ =	shalt  }
0x51: {  	_ =	shalt  }
0x52: {  	_ =	shalt  }
0x53: {  	_ =	shalt  }
0x54: {  	_ =	shalt  }
0x55: {  	_ =	shalt  }
0x56: {  	_ =	shalt  }
0x57: {  	_ =	shalt  }
0x58: {  	_ =	shalt  }
0x59: {  	_ =	shalt  }
0x5a: {  	_ =	shalt  }
0x5b: {  	_ =	shalt  }
0x5c: {  	_ =	shalt  }
0x5d: {  	_ =	shalt  }
0x5e: {  	_ =	shalt  }
0x5f: {  	_ =	shalt  }
0x60: {  	_ =	shalt  }
0x61: {  	_ =	shalt  }
0x62: {  	_ =	shalt  }
0x63: {  	_ =	shalt  }
0x64: {  	_ =	shalt  }
0x65: {  	_ =	shalt  }
0x66: {  	_ =	shalt  }
0x67: {  	_ =	shalt  }
0x68: {  	_ =	shalt  }
0x69: {  	_ =	shalt  }
0x6a: {  	_ =	shalt  }
0x6b: {  	_ =	shalt  }
0x6c: {  	_ =	shalt  }
0x6d: {  	_ =	shalt  }
0x6e: {  	_ =	shalt  }
0x6f: {  	_ =	shalt  }
0x70: {  	_ =	shalt  }
0x71: {  	_ =	shalt  }
0x72: {  	_ =	shalt  }
0x73: {  	_ =	shalt  }
0x74: {  	_ =	shalt  }
0x75: {  	_ =	shalt  }
0x76: {  	_ =	shalt  }
0x77: {  	_ =	shalt  }
0x78: {  	_ =	shalt  }
0x79: {  	_ =	shalt  }
0x7a: {  	_ =	shalt  }
0x7b: {  	_ =	shalt  }
0x7c: {  	_ =	shalt  }
0x7d: {  	_ =	shalt  }
0x7e: {  	_ =	shalt  }
0x7f: {  	_ =	shalt  }
0x80: {  	_ =	shalt  }
0x81: {  	_ =	shalt  }
0x82: {  	_ =	shalt  }
0x83: {  	_ =	shalt  }
0x84: {  	_ =	shalt  }
0x85: {  	_ =	shalt  }
0x86: {  	_ =	shalt  }
0x87: {  	_ =	shalt  }
.Lfunc_end0:
.L_simem_size_0:
called_computation_lowered:
.L_overlay_start_0:
0x88: {  	s2 =	sld [smem:$0x3FD9]  }
0x89: {  	s3 =	sld [smem:$0x3FFE];
	_ =	sdelay $0x1  }
0x8a: {  	s1 =	srdreg.scid  }
0x8b: {  	s0 =	sand.u32 $0x1, s1  }
0x8c: {  	s18 =	sshll.u32 s0, $0xA;
	s2 =	sadd.s32 s3, s2  }
0x8d: {  	s2 =	sadd.s32 s2, s18  }
0x8e: {  	[smem:$0x3FC7] =	sst s2  }
0x8f: {  	_ = 	snop  }
0x90: {  	s2 =	sld [smem:$0x3FC9]  }
0x91: {  	s19 =	sld [smem:$0x3FD0];
	(tm) =	ssettm $0x1  }
0x92: {  	s4 =	sld [smem:$0x3FFB];
	_ =	sdelay $0x3  }
0x93: {  	_ =	strace s4  }
0x94: {  	s4 =	sld [smem:$0x3FFC];
	_ =	sdelay $0x3  }
0x95: {  	_ =	strace s4  }
0x96: {  	s4 =	sld [smem:$0x3FFD];
	_ =	sdelay $0x3  }
0x97: {  	_ =	strace s4  }
0x98: {  	_ =	strace $0x8FFFFFFF  }
0x99: {  	s20 =	sld [smem:$0x3FDB];
	_ =	sdelay $0x1  }
0x9a: {  	s5 =	simm.s32 $_scs_section_size  }
0x9b: {  	s6 =	simm.s32 $_size__tile_overlayer_lowered;
	s7 =	simm.s32 $_tile_overlayer_lowered  }
0x9c: {  	s23 =	simm.s32 $0x1BFF;
	s22 =	sshll.u32 s7, $0x1;
	s4 =	sadd.s32 s5, s20  }
0x9d: {  	s8 =	simm.s32 $0x0;
	s21 =	sshll.u32 s6, $0x1;
	s6 =	sadd.s32 s22, s4  }
0x9e: {  	[timem:s8], [sflag:s23] =	dma.local [hbm:s6], s21  }
0x9f: {  	_ =	swait.ge [sflag:s23], s21  }
0xa0: {  	s5 =	ssub.s32 $0x0, s21;
	[sflag:s23] =	ssyncset.done $0x0  }
0xa1: {  	[sflag:s23] =	ssyncadd.s32 s5;
	_ =	sdelay $0x1  }
0xa2: {  	s24 =	simm.s32 $0x1B8B  }
0xa3: {  	_ =	swait.ge [sflag:s24], $0x1  }
0xa4: {  	[sflag:s24] =	ssyncset.done $0x0  }
0xa5: {  	s25 =	simm.s32 $0x1B8E;
	[sflag:s24] =	ssyncadd.s32 $0xFFFFFFFF  }
0xa6: {  	s26 =	simm.s32 $execute0_lowered;
	[smem:$0x3FD2] =	sst s25  }
0xa7: {  	s5 =	sshll.u32 s26, $0x1;
	_ =	strace $0x80000046;
	[dreg:$0x1] =	wrdreg $0xFFFFFFFF  }
0xa8: {  	s28 =	simm.s32 $_size_execute0_lowered;
	s4 =	sadd.s32 s4, s5;
	[dreg:$0x0] =	wrdreg $0x0  }
0xa9: {  	s5 =	sshll.u32 s28, $0x1;
	[dreg:$0x2] =	wrdreg s4  }
0xaa: {  	[dreg:$0x3] =	wrdreg s5  }
0xab: {  	[dreg:$0x4] =	wrdreg $0xC0  }
0xac: {  	_ =	task [dreg:s8], $0x5FFFF  }
0xad: {  	[dreg:$0x1] =	wrdreg $0xFFFFFFFF  }
0xae: {  	[dreg:$0x0] =	wrdreg $0x60  }
0xaf: {  	[dreg:$0x2] =	wrdreg s2  }
0xb0: {  	[dreg:$0x3] =	wrdreg s19  }
0xb1: {  	[dreg:$0x4] =	wrdreg $0x9  }
0xb2: {  	_ =	task.clear_ibuf [dreg:s8], $0x5FFFF;
	_ =	strace $0x90000046  }
0xb3: {  	s29 =	simm.s32 $0x9;
	_ =	strace $0x80000048  }
0xb4: {  	_ =	swait.ge [sflag:s29], $0x1  }
0xb5: {  	[sflag:s29] =	ssyncadd.s32 $0xFFFFFFFF  }
0xb6: {  	_ =	strace $0x90000048  }
0xb7: {  	_ =	sfence  }
0xb8: {  	s30 =	sld [smem:$0x0];
	_ =	sdelay $0x2  }
0xb9: {  	s31 =	sshll.u32 s1, $0xD;
	s1 =	sshrl.u32 s1, $0x2  }
0xba: {  	s3 =	sand.u32 $0x4000, s31;
	s1 =	sadd.s32 s1, s30  }
0xbb: {  	s0 =	sor.u32 s3, s0;
	s1 =	sshll.u32 s1, $0x11  }
0xbc: {  	s0 =	sor.u32 s1, s0  }
0xbd: {  	s0 =	sadd.s32 $0x8F2B, s0  }
0xbe: {  	[sflag:s0] =	ssyncadd.remote.s32 $0x1  }
0xbf: {  	_ =	sfence.sel $0xFFFF  }
0xc0: {  	[dreg:$0x0] =	wrdreg $0xFFFFFFFF;
	(pc) =	sbr.abs _section_cstart, $3  }
0xc1: {  	[dreg:$0x1] =	wrdreg $0xFFFFFFFF  }
0xc2: {  	_ =	task.clear_ibuf [dreg:s8], $0x2FFFF;
	_ =	strace $0x9FFFFFFF  }
0xc3: {  	(tm) =	ssettm $0x7FFFFFFF  }
tec
execute0_lowered:
.L_overlay_start_1:
0x0: {  	(tag) =	ssettag $0x1  }
0x1: {  	s3 =	rddreg [dreg:$0x0]  }
0x2: {  	s4 =	rddreg [dreg:$0x1]  }
0x3: {  	s0 =	rddreg [dreg:$0x2];
	s2 =	simm.s32 $0x0  }
0x4: {  	s1 =	stileid.u32;
	s5 =	srdreg.scid;
	s10 =	simm.s32 $0x0  }
0x5: {  	[smem:$0x7FF] =	sst s2;
	s6 =	sshll.u32 s1, $0x8;
	s7 =	sshll.u32 s1, $0x7  }
0x6: {  	s5 =	sand.u32 $0x1, s5;
	s9 =	sshll.u32 s1, $0x10;
	_ =	strace $0x80000047  }
0x7: {  	s6 =	sand.u32 $0x800, s6;
	s7 =	sand.u32 $0x380, s7;
	s8 =	sshll.u32 s5, $0xA  }
0x8: {  	s5 =	ssub.s32 $0x2, s5;
	s6 =	sor.u32 s6, s7;
	s30 =	sor.u32 s8, s9  }
0x9: {  	s31 =	sshrl.u32 s5, $0x1;
	s9 =	simm.s32 $0x8000;
	s6 =	sor.u32 s8, s6  }
0xa: {  	s7 =	sshrl.u32 s30, $0x3;
	s5 =	ssub.s32 s5, s31;
	s8 =	simm.s32 $0x1  }
0xb: {  	s6 =	sshrl.u32 s6, $0x3;
	s3 =	sadd.s32 s3, s7;
	s5 =	smax.u32 s5, $0x1  }
0xc: {  	s7 =	simm.s32 $0x800;
	s4 =	sadd.s32 s4, s6;
	s6 =	simm.s32 $0x400  }
.LBB2_1:
0xd: {  	[tilespmem:s2], [sflag:$0x1] =	stream.strided.gather [hbm4b:s3+s6], $0x8000, s7, s6, $0x38;
	[tilespmem:$0x8080] =	vst v63  }
0xe: {  	_ =	swait.ge [sflag:s8], $0x8000  }
0xf: {  	[sflag:s8] =	ssyncset.done $0x0  }
0x10: {  	s11 =	simm.s32 $0x40;
	[sflag:s8] =	ssyncadd.s32 $0xFFFF8000  }
0x11: {  	v0 =	vld [tilespmem:s11+$0xFFFFFFF0]  }
0x12: {  	v2 =	vld [tilespmem:s11+$0xFFFFFFC0]  }
0x13: {  	v3 =	vld [tilespmem:s11+$0x30]  }
0x14: {  	v4 =	vld [tilespmem:s11+$0x10]  }
0x15: {  	v6 =	vld [tilespmem:s11+$0x20]  }
0x16: {  	v8 =	vld [tilespmem:s11+$0xFFFFFFE0]  }
0x17: {  	v18 =	vld [tilespmem:s11+$0xFFFFFFD0]  }
0x18: {  	v1 =	vimm.f32 $-Inf;
	v14 =	vld [tilespmem:s11+$0x0]  }
0x19: {  	v16 =	vimm.s32 $0x0;
	s13 =	simm.s32 $0xC0;
	vm0 =	vgt.f32 v0, v1;
	vm1 =	vgt.f32 v2, v1  }
0x1a: {  	v15 =	vld [tilespmem:s13+$0xFFFFFFF0];
	v13 =	vmax.f32 v0, v1;
	v19 =	vmax.f32 v2, v1;
	v0 =	vmax.f32 v3, v1  }
0x1b: {  	v20 =	vld [tilespmem:s13+$0xFFFFFFC0];
	v10 =	vmax.f32 v6, v1;
	v11 =	vmax.f32 v8, v1;
	vm2 =	vgt.f32 v6, v1  }
0x1c: {  	v5 =	vld [tilespmem:s13+$0x30];
	vm3 =	vgt.f32 v18, v1;
	v21 =	vsel vm1, s2, v16;
	vm1 =	vgt.f32 v4, v1  }
0x1d: {  	v4 =	vmax.f32 v4, v1;
	v7 =	vsel vm0, s2, v16;
	vm0 =	vgt.f32 v14, v1  }
0x1e: {  	v12 =	vld [tilespmem:s13+$0x10];
	v6 =	vsel vm2, s2, v16;
	v2 =	vsel vm1, s2, v16;
	vm1 =	vgt.f32 v3, v1  }
0x1f: {  	v17 =	vmax.f32 v15, v13;
	v3 =	vsel vm1, s2, v16;
	vm1 =	vgt.f32 v8, v1;
	v8 =	vld [tilespmem:s13+$0x20]  }
0x20: {  	v22 =	vld [tilespmem:s13+$0xFFFFFFE0];
	vm2 =	vgt.f32 v20, v19;
	v20 =	vmax.f32 v20, v19;
	v14 =	vmax.f32 v14, v1  }
0x21: {  	s11 =	simm.s32 $0x1;
	v23 =	vmax.f32 v5, v0;
	v9 =	vsel vm0, s2, v16;
	vm0 =	vgt.f32 v15, v13;
	v13 =	vld [tilespmem:s13+$0x0]  }
0x22: {  	s12 =	simm.s32 $0x2;
	v25 =	vld [tilespmem:s13+$0xFFFFFFD0];
	v24 =	vmovc v11;
	v15 =	vsel vm3, s2, v16;
	v19 =	vsel vm2, s11, v21;
	s13 =	simm.s32 $0x140;
	v21 =	vsel vm1, s2, v16;
	v16 =	vmovc v10  }
.LBB2_2:
0x23: {  	v26 =	vld [tilespmem:s13+$0xFFFFFFF0];
	p0 =	sne.s32 s12, $0xFF;
	vm1 =	vgt.f32 v12, v4;
	v4 =	vmax.f32 v12, v4;
	v1 =	vmax.f32 v18, v1;
	s14 =	smov.u32 s12;
	s12 =	sadd.s32 $0x1, s12  }
0x24: {  	v27 =	vld [tilespmem:s13+$0xFFFFFFC0];
	v2 =	vsel vm1, s11, v2;
	v10 =	vmax.f32 v8, v10;
	vm1 =	vgt.f32 v5, v0;
	v0 =	vmovc v23  }
0x25: {  	v7 =	vsel vm0, s11, v7;
	v5 =	vld [tilespmem:s13+$0x30];
	v11 =	vmax.f32 v22, v11;
	v3 =	vsel vm1, s11, v3  }
.Ltmp0:
0x26: {  	vm2 =	vgt.f32 v8, v16;
	vm1 =	vgt.f32 v22, v24;
	v16 =	vmovc v10;
	v12 =	vld [tilespmem:s13+$0x10];
	vm0 =	vgt.f32 v13, v14;
	(pc) =	sbr.rel @p0 .LBB2_2-.Ltmp0, $4  }
0x27: {  	v6 =	vsel vm2, s11, v6;
	v24 =	vmovc v11;
	v8 =	vld [tilespmem:s13+$0x20];
	vm3 =	vgt.f32 v25, v1;
	v9 =	vsel vm0, s11, v9;
	v18 =	vmovc v25  }
0x28: {  	v22 =	vld [tilespmem:s13+$0xFFFFFFE0];
	vm0 =	vgt.f32 v26, v17;
	v17 =	vmax.f32 v26, v17;
	v15 =	vsel vm3, s11, v15  }
0x29: {  	v14 =	vmax.f32 v13, v14;
	vm2 =	vgt.f32 v27, v20;
	v20 =	vmax.f32 v27, v20;
	v13 =	vld [tilespmem:s13+$0x0]  }
0x2a: {  	v21 =	vsel vm1, s11, v21;
	s11 =	smov.u32 s14;
	v19 =	vsel vm2, s14, v19;
	v25 =	vld [tilespmem:s13+$0xFFFFFFD0];
	v23 =	vmax.f32 v5, v23;
	s13 =	sadd.s32 $0x80, s13  }
0x2b: {  	[tilespmem:$0x8000] =	vst v19;
	v59 =	vsel vm0, s11, v7;
	vm13 =	vgt.f32 v12, v4  }
0x2c: {  	vm15 =	vgt.f32 v5, v0;
	[tilespmem:$0x8030] =	vst v59;
	v61 =	vsel vm13, s11, v2  }
0x2d: {  	vm14 =	vgt.f32 v8, v16;
	v63 =	vsel vm15, s11, v3;
	[tilespmem:$0x8050] =	vst v61  }
0x2e: {  	vm2 =	vgt.f32 v22, v24;
	v62 =	vsel vm14, s11, v6;
	[tilespmem:$0x8070] =	vst v63  }
0x2f: {  	v1 =	vmax.f32 v18, v1;
	v10 =	vsel vm2, s11, v21;
	vm12 =	vgt.f32 v13, v14;
	[tilespmem:$0x8060] =	vst v62  }
0x30: {  	s10 =	sadd.s32 $0x1, s10;
	vm1 =	vgt.f32 v25, v1;
	[tilespmem:$0x8020] =	vst v10;
	v60 =	vsel vm12, s11, v9  }
0x31: {  	p0 =	sne.s32 s10, s5;
	v1 =	vsel vm1, s11, v15;
	[tilespmem:$0x8040] =	vst v60  }
.Ltmp1:
0x32: {  	[tilespmem:$0x8010] =	vst v1;
	(pc) =	sbr.rel @p0 .LBB2_1-.Ltmp1, $4  }
0x33: {  	[hbm4b:s4+s2] =	stream.linear.scatter [tilespmem:s9], [sflag:$0x1], $0x80, $0x38;
	[tilespmem:$0x8080] =	vst v63  }
0x34: {  	_ =	swait.ge [sflag:s8], $0x80  }
0x35: {  	[sflag:s8] =	ssyncset.done $0x0  }
0x36: {  	[sflag:s8] =	ssyncadd.s32 $0xFFFFFF80  }
0x37: {  	_ =	sfence.sel $0x180000  }
0x38: {  	[bflag:$0x0] =	sbarrier.arrive $0xFFFF  }
0x39: {  	p0 =	sne.s32 s1, $0x0;
	_ =	strace $0x90000047  }
0x3a: {  	s0 =	sadd.s32 @!p0 $0x100000, s0;
	[bflag:$0x2] =	sbarrier.arrive $0xFFFF  }
0x3b: {  	[sflag:s0] =	ssyncadd.tile.s32 @!p0 $0x1;
	_ =	shalt  }
.Lfunc_end2:
_tile_overlayer_lowered:
.L_overlay_start_2:
0x3c: {  	(tag) =	ssettag $0x2  }
0x3d: {  	s0 =	rddreg [dreg:$0x0];
	s2 =	stileid.u32  }
0x3e: {  	s1 =	rddreg [dreg:$0x1];
	p0 =	sne.s32 s2, $0x0  }
0x3f: {  	s3 =	rddreg [dreg:$0x2];
	[bflag:$0x3] =	sbarrier.arrive $0xFFFF;
	s2 =	simm.s32 @!p0 $0x1C01  }
0x40: {  	[timem:s3], [sflag:s2] =	dma.local @!p0 [hbm:s0], s1  }
0x41: {  	s0 =	simm.s32 @!p0 $0x1  }
0x42: {  	_ =	swait.ge @!p0 [sflag:s0], s1  }
0x43: {  	s1 =	ssub.s32 @!p0 $0x0, s1;
	[sflag:s0] =	ssyncset.done @!p0 $0x0  }
0x44: {  	[sflag:s0] =	ssyncadd.s32 @!p0 s1  }
0x45: {  	[bflag:$0x3] =	sbarrier.arrive $0xFFFF  }
0x46: {  	_ =	shalt  }

</sc_bundles>
